<compile_context>
chip_gen: v7x
topology: tpu7x:2x2x1
jax: 0.10.2.dev20260603
libtpu: 0.0.44.dev20260713+nightly
codegen_flags: <defaults>
</compile_context>

<pallas_src>
import functools

import jax
import jax.numpy as jnp
from jax import lax
from jax.experimental import pallas as pl
from jax.experimental.pallas import tpu as pltpu
from jax.experimental.pallas import tpu_sc as plsc


def _make_gather(V, D, N, NC, NS, CH, NBUF):
    NW = NC * NS
    n_per_w = N // NW
    n_ch = n_per_w // CH
    n_blk = n_ch // NBUF
    assert n_ch % NBUF == 0 and n_blk >= 3
    mesh = plsc.VectorSubcoreMesh(core_axis_name="c", subcore_axis_name="s")

    @functools.partial(
        pl.kernel,
        out_type=jax.ShapeDtypeStruct((N, D), jnp.float32),
        mesh=mesh,
        scratch_types=[
            pltpu.VMEM((n_ch, CH), jnp.int32),
            pltpu.VMEM((NBUF, CH, D), jnp.float32),
            [pltpu.SemaphoreType.DMA] * NBUF,
            [pltpu.SemaphoreType.DMA] * NBUF,
        ],
    )
    def gather_kernel(idx_hbm, table_hbm, out_hbm, idx_v, rows_v, gsems, osems):
        wid = lax.axis_index("s") * NC + lax.axis_index("c")
        base = wid * n_per_w
        pltpu.sync_copy(idx_hbm.at[wid], idx_v)

        def gather_start(c, b):
            pltpu.async_copy(table_hbm.at[idx_v.at[c]], rows_v.at[b], gsems[b])

        def gather_wait(c, b):
            pltpu.make_async_copy(
                table_hbm.at[idx_v.at[c]], rows_v.at[b], gsems[b]
            ).wait()

        def out_start(c, b):
            pltpu.async_copy(
                rows_v.at[b], out_hbm.at[pl.ds(base + c * CH, CH)], osems[b]
            )

        def out_wait(c, b):
            pltpu.make_async_copy(
                rows_v.at[b], out_hbm.at[pl.ds(base + c * CH, CH)], osems[b]
            ).wait()

        @pl.loop(0, n_ch, step=NBUF)
        def _(c0):
            for b in range(NBUF):
                out_start(c0 + b, b)
            for b in range(NBUF):
                out_wait(c0 + b, b)
        return

        for b in range(NBUF):
            gather_start(b, b)

        for b in range(NBUF):
            c = b
            gather_wait(c, b)
            out_start(c, b)
            if c >= 1:
                out_wait(c - 1, b - 1)
                gather_start(c - 1 + NBUF, b - 1)

        @pl.loop(NBUF, (n_blk - 1) * NBUF, step=NBUF)
        def _(c0):
            for b in range(NBUF):
                c = c0 + b
                pb = (b - 1) % NBUF
                gather_wait(c, b)
                out_start(c, b)
                out_wait(c - 1, pb)
                gather_start(c - 1 + NBUF, pb)

        for b in range(NBUF):
            c = n_ch - NBUF + b
            gather_wait(c, b)
            out_start(c, b)
            out_wait(c - 1, (b - 1) % NBUF)
            if c - 1 + NBUF <= n_ch - 1:
                gather_start(c - 1 + NBUF, (b - 1) % NBUF)
        out_wait(n_ch - 1, NBUF - 1)

    return gather_kernel


def kernel(word_ids, emb_weight):
    B, L = word_ids.shape
    V, D = emb_weight.shape
    N = B * L
    info = plsc.get_sparse_core_info()
    NC, NS = info.num_cores, info.num_subcores
    NW = NC * NS
    CH = 128
    NBUF = 5
    idx = word_ids.reshape(-1).astype(jnp.int32).reshape(NW, N // NW // CH, CH)
    out = _make_gather(V, D, N, NC, NS, CH, NBUF)(idx, emb_weight)
    return out.reshape(B, L, D)

# --- scband reference (transcript-rebuilt; emitter-appended) ---
"""Pipeline reference for scband-glove-text-encoder-30520037605862 (READ-ONLY COPY).

The authoritative reference and input builder live on the scoring server;
editing this copy changes nothing except your own understanding.
"""

import jax, jax.numpy as jnp
import numpy as np

VOCAB = 100000
DIM = 128
B = 1024
L = 200

def setup_inputs(seed: int = 0) -> dict:
    key = jax.random.key(seed)
    k1, k2 = jax.random.split(key)
    word_ids = jax.random.randint(k1, (B, L), 0, VOCAB, dtype=jnp.int64 if jax.config.jax_enable_x64 else jnp.int32)
    emb_weight = jax.random.normal(k2, (VOCAB, DIM), dtype=jnp.float32)
    return {"word_ids": word_ids, "emb_weight": emb_weight}

def reference(word_ids, emb_weight):
    # nn.Embedding forward: gather rows of the (frozen) GloVe table
    # (B, L) -> (B, L, dim)
    return jnp.take(emb_weight, word_ids, axis=0)

if __name__ == "__main__":
    import jax
    _d = setup_inputs()
    print(jax.jit(kernel)(*tuple(_d.values())))

</pallas_src>

<mosaic_0001>
#map = affine_map<(d0, d1) -> (0, 0, 0)>
#map1 = affine_map<(d0, d1) -> (0, 0)>
module attributes {stable_mosaic.version = 14 : i64} {
  func.func @gather_kernel(%arg0: i32, %arg1: i32, %arg2: memref<32x50x128xi32, #tpu.memory_space<hbm>>, %arg3: memref<100000x128xf32, #tpu.memory_space<hbm>>, %arg4: memref<204800x128xf32, #tpu.memory_space<hbm>>, %arg5: memref<50x128xi32, #tpu.memory_space<vmem>>, %arg6: memref<5x128x128xf32, #tpu.memory_space<vmem>>, %arg7: memref<!tpu.dma_semaphore, #tpu.memory_space<semaphore_mem>>, %arg8: memref<!tpu.dma_semaphore, #tpu.memory_space<semaphore_mem>>, %arg9: memref<!tpu.dma_semaphore, #tpu.memory_space<semaphore_mem>>, %arg10: memref<!tpu.dma_semaphore, #tpu.memory_space<semaphore_mem>>, %arg11: memref<!tpu.dma_semaphore, #tpu.memory_space<semaphore_mem>>, %arg12: memref<!tpu.dma_semaphore, #tpu.memory_space<semaphore_mem>>, %arg13: memref<!tpu.dma_semaphore, #tpu.memory_space<semaphore_mem>>, %arg14: memref<!tpu.dma_semaphore, #tpu.memory_space<semaphore_mem>>, %arg15: memref<!tpu.dma_semaphore, #tpu.memory_space<semaphore_mem>>, %arg16: memref<!tpu.dma_semaphore, #tpu.memory_space<semaphore_mem>>) attributes {dimension_semantics = [#tpu.dimension_semantics<core_parallel>, #tpu.dimension_semantics<subcore_parallel>], iteration_bounds = array<i64: 2, 16>, scalar_prefetch = 0 : i64, scratch_operands = 12 : i64, tpu.core_type = #tpu.core_type<sc_vector_subcore>, window_params = [{transform_indices = #map}, {transform_indices = #map1}, {transform_indices = #map1}]} {
    %mul3A = arith.constant 2 : i32
    %mul3A_0 = arith.muli %arg1, %mul3A : i32
    %add3A = arith.addi %mul3A_0, %arg0 : i32
    %mul3A_1 = arith.constant 6400 : i32
    %mul3A_2 = arith.muli %add3A, %mul3A_1 : i32
    "tpu.region"() ({
      %run_scoped3A = tpu.sem_alloc : memref<!tpu.dma_semaphore, #tpu.memory_space<semaphore_mem>>
      %dma_start3A = arith.constant 0 : i32
      %dma_start3A_7 = arith.constant 0 : i32
      %dma_start3A_8 = tpu.memref_slice %arg2[%add3A, %dma_start3A, %dma_start3A_7] : memref<32x50x128xi32, #tpu.memory_space<hbm>> -> memref<1x50x128xi32, #tpu.memory_space<hbm>>
      %dma_start3A_9 = tpu.memref_squeeze %dma_start3A_8 : memref<1x50x128xi32, #tpu.memory_space<hbm>> -> memref<50x128xi32, #tpu.memory_space<hbm>>
      %dma_start3A_10 = arith.constant 0 : i32
      %dma_start3A_11 = arith.constant 0 : i32
      %dma_start3A_12 = tpu.memref_slice %arg2[%add3A, %dma_start3A_10, %dma_start3A_11] : memref<32x50x128xi32, #tpu.memory_space<hbm>> -> memref<1x50x128xi32, #tpu.memory_space<hbm>>
      %dma_start3A_13 = tpu.memref_squeeze %dma_start3A_12 : memref<1x50x128xi32, #tpu.memory_space<hbm>> -> memref<50x128xi32, #tpu.memory_space<hbm>>
      tpu.enqueue_dma source(%dma_start3A_13 : memref<50x128xi32, #tpu.memory_space<hbm>>) target(%arg5 : memref<50x128xi32, #tpu.memory_space<vmem>>) target_semaphore(%run_scoped3A : memref<!tpu.dma_semaphore, #tpu.memory_space<semaphore_mem>>)
      %dma_wait3A = arith.constant 0 : i32
      %dma_wait3A_14 = arith.constant 0 : i32
      %dma_wait3A_15 = tpu.memref_slice %arg2[%add3A, %dma_wait3A, %dma_wait3A_14] : memref<32x50x128xi32, #tpu.memory_space<hbm>> -> memref<1x50x128xi32, #tpu.memory_space<hbm>>
      %dma_wait3A_16 = tpu.memref_squeeze %dma_wait3A_15 : memref<1x50x128xi32, #tpu.memory_space<hbm>> -> memref<50x128xi32, #tpu.memory_space<hbm>>
      %dma_wait3A_17 = arith.constant 0 : i32
      %dma_wait3A_18 = arith.constant 0 : i32
      %dma_wait3A_19 = tpu.memref_slice %arg2[%add3A, %dma_wait3A_17, %dma_wait3A_18] : memref<32x50x128xi32, #tpu.memory_space<hbm>> -> memref<1x50x128xi32, #tpu.memory_space<hbm>>
      %dma_wait3A_20 = tpu.memref_squeeze %dma_wait3A_19 : memref<1x50x128xi32, #tpu.memory_space<hbm>> -> memref<50x128xi32, #tpu.memory_space<hbm>>
      tpu.wait_dma2 semaphore(%run_scoped3A : memref<!tpu.dma_semaphore, #tpu.memory_space<semaphore_mem>>) src(%dma_wait3A_20 : memref<50x128xi32, #tpu.memory_space<hbm>>) dst(%arg5 : memref<50x128xi32, #tpu.memory_space<vmem>>)
      tpu.yield
    }) : () -> ()
    %scan3A = arith.constant 0 : i32
    %scan3A_3 = arith.constant 10 : i32
    %scan3A_4 = arith.addi %scan3A, %scan3A_3 : i32
    %scan3A_5 = arith.constant 1 : i32
    scf.for %scan3A_7 = %scan3A to %scan3A_4 step %scan3A_5  : i32 {
      %mul3A_8 = arith.constant 5 : i32
      %mul3A_9 = arith.muli %scan3A_7, %mul3A_8 : i32
      %add3A_10 = arith.constant 0 : i32
      %add3A_11 = arith.addi %add3A_10, %mul3A_9 : i32
      %add3A_12 = arith.constant 0 : i32
      %add3A_13 = arith.addi %add3A_11, %add3A_12 : i32
      %mul3A_14 = arith.constant 128 : i32
      %mul3A_15 = arith.muli %add3A_13, %mul3A_14 : i32
      %add3A_16 = arith.addi %mul3A_2, %mul3A_15 : i32
      %dma_start3A = arith.constant 0 : i32
      %dma_start3A_17 = arith.constant 0 : i32
      %dma_start3A_18 = arith.constant 0 : i32
      %dma_start3A_19 = tpu.memref_slice %arg6[%dma_start3A, %dma_start3A_17, %dma_start3A_18] : memref<5x128x128xf32, #tpu.memory_space<vmem>> -> memref<1x128x128xf32, #tpu.memory_space<vmem>>
      %dma_start3A_20 = tpu.memref_squeeze %dma_start3A_19 : memref<1x128x128xf32, #tpu.memory_space<vmem>> -> memref<128x128xf32, #tpu.memory_space<vmem>>
      %dma_start3A_21 = arith.constant 0 : i32
      %dma_start3A_22 = tpu.memref_slice %arg4[%add3A_16, %dma_start3A_21] : memref<204800x128xf32, #tpu.memory_space<hbm>> -> memref<128x128xf32, #tpu.memory_space<hbm>>
      %dma_start3A_23 = arith.constant 0 : i32
      %dma_start3A_24 = tpu.memref_slice %arg4[%add3A_16, %dma_start3A_23] : memref<204800x128xf32, #tpu.memory_space<hbm>> -> memref<128x128xf32, #tpu.memory_space<hbm>>
      %dma_start3A_25 = arith.constant 0 : i32
      %dma_start3A_26 = arith.constant 0 : i32
      %dma_start3A_27 = tpu.memref_slice %arg6[%dma_start3A, %dma_start3A_25, %dma_start3A_26] : memref<5x128x128xf32, #tpu.memory_space<vmem>> -> memref<1x128x128xf32, #tpu.memory_space<vmem>>
      %dma_start3A_28 = tpu.memref_squeeze %dma_start3A_27 : memref<1x128x128xf32, #tpu.memory_space<vmem>> -> memref<128x128xf32, #tpu.memory_space<vmem>>
      tpu.enqueue_dma source(%dma_start3A_28 : memref<128x128xf32, #tpu.memory_space<vmem>>) target(%dma_start3A_24 : memref<128x128xf32, #tpu.memory_space<hbm>>) target_semaphore(%arg12 : memref<!tpu.dma_semaphore, #tpu.memory_space<semaphore_mem>>)
      %add3A_29 = arith.constant 1 : i32
      %add3A_30 = arith.addi %add3A_11, %add3A_29 : i32
      %mul3A_31 = arith.constant 128 : i32
      %mul3A_32 = arith.muli %add3A_30, %mul3A_31 : i32
      %add3A_33 = arith.addi %mul3A_2, %mul3A_32 : i32
      %dma_start3A_34 = arith.constant 1 : i32
      %dma_start3A_35 = arith.constant 0 : i32
      %dma_start3A_36 = arith.constant 0 : i32
      %dma_start3A_37 = tpu.memref_slice %arg6[%dma_start3A_34, %dma_start3A_35, %dma_start3A_36] : memref<5x128x128xf32, #tpu.memory_space<vmem>> -> memref<1x128x128xf32, #tpu.memory_space<vmem>>
      %dma_start3A_38 = tpu.memref_squeeze %dma_start3A_37 : memref<1x128x128xf32, #tpu.memory_space<vmem>> -> memref<128x128xf32, #tpu.memory_space<vmem>>
      %dma_start3A_39 = arith.constant 0 : i32
      %dma_start3A_40 = tpu.memref_slice %arg4[%add3A_33, %dma_start3A_39] : memref<204800x128xf32, #tpu.memory_space<hbm>> -> memref<128x128xf32, #tpu.memory_space<hbm>>
      %dma_start3A_41 = arith.constant 0 : i32
      %dma_start3A_42 = tpu.memref_slice %arg4[%add3A_33, %dma_start3A_41] : memref<204800x128xf32, #tpu.memory_space<hbm>> -> memref<128x128xf32, #tpu.memory_space<hbm>>
      %dma_start3A_43 = arith.constant 0 : i32
      %dma_start3A_44 = arith.constant 0 : i32
      %dma_start3A_45 = tpu.memref_slice %arg6[%dma_start3A_34, %dma_start3A_43, %dma_start3A_44] : memref<5x128x128xf32, #tpu.memory_space<vmem>> -> memref<1x128x128xf32, #tpu.memory_space<vmem>>
      %dma_start3A_46 = tpu.memref_squeeze %dma_start3A_45 : memref<1x128x128xf32, #tpu.memory_space<vmem>> -> memref<128x128xf32, #tpu.memory_space<vmem>>
      tpu.enqueue_dma source(%dma_start3A_46 : memref<128x128xf32, #tpu.memory_space<vmem>>) target(%dma_start3A_42 : memref<128x128xf32, #tpu.memory_space<hbm>>) target_semaphore(%arg13 : memref<!tpu.dma_semaphore, #tpu.memory_space<semaphore_mem>>)
      %add3A_47 = arith.constant 2 : i32
      %add3A_48 = arith.addi %add3A_11, %add3A_47 : i32
      %mul3A_49 = arith.constant 128 : i32
      %mul3A_50 = arith.muli %add3A_48, %mul3A_49 : i32
      %add3A_51 = arith.addi %mul3A_2, %mul3A_50 : i32
      %dma_start3A_52 = arith.constant 2 : i32
      %dma_start3A_53 = arith.constant 0 : i32
      %dma_start3A_54 = arith.constant 0 : i32
      %dma_start3A_55 = tpu.memref_slice %arg6[%dma_start3A_52, %dma_start3A_53, %dma_start3A_54] : memref<5x128x128xf32, #tpu.memory_space<vmem>> -> memref<1x128x128xf32, #tpu.memory_space<vmem>>
      %dma_start3A_56 = tpu.memref_squeeze %dma_start3A_55 : memref<1x128x128xf32, #tpu.memory_space<vmem>> -> memref<128x128xf32, #tpu.memory_space<vmem>>
      %dma_start3A_57 = arith.constant 0 : i32
      %dma_start3A_58 = tpu.memref_slice %arg4[%add3A_51, %dma_start3A_57] : memref<204800x128xf32, #tpu.memory_space<hbm>> -> memref<128x128xf32, #tpu.memory_space<hbm>>
      %dma_start3A_59 = arith.constant 0 : i32
      %dma_start3A_60 = tpu.memref_slice %arg4[%add3A_51, %dma_start3A_59] : memref<204800x128xf32, #tpu.memory_space<hbm>> -> memref<128x128xf32, #tpu.memory_space<hbm>>
      %dma_start3A_61 = arith.constant 0 : i32
      %dma_start3A_62 = arith.constant 0 : i32
      %dma_start3A_63 = tpu.memref_slice %arg6[%dma_start3A_52, %dma_start3A_61, %dma_start3A_62] : memref<5x128x128xf32, #tpu.memory_space<vmem>> -> memref<1x128x128xf32, #tpu.memory_space<vmem>>
      %dma_start3A_64 = tpu.memref_squeeze %dma_start3A_63 : memref<1x128x128xf32, #tpu.memory_space<vmem>> -> memref<128x128xf32, #tpu.memory_space<vmem>>
      tpu.enqueue_dma source(%dma_start3A_64 : memref<128x128xf32, #tpu.memory_space<vmem>>) target(%dma_start3A_60 : memref<128x128xf32, #tpu.memory_space<hbm>>) target_semaphore(%arg14 : memref<!tpu.dma_semaphore, #tpu.memory_space<semaphore_mem>>)
      %add3A_65 = arith.constant 3 : i32
      %add3A_66 = arith.addi %add3A_11, %add3A_65 : i32
      %mul3A_67 = arith.constant 128 : i32
      %mul3A_68 = arith.muli %add3A_66, %mul3A_67 : i32
      %add3A_69 = arith.addi %mul3A_2, %mul3A_68 : i32
      %dma_start3A_70 = arith.constant 3 : i32
      %dma_start3A_71 = arith.constant 0 : i32
      %dma_start3A_72 = arith.constant 0 : i32
      %dma_start3A_73 = tpu.memref_slice %arg6[%dma_start3A_70, %dma_start3A_71, %dma_start3A_72] : memref<5x128x128xf32, #tpu.memory_space<vmem>> -> memref<1x128x128xf32, #tpu.memory_space<vmem>>
      %dma_start3A_74 = tpu.memref_squeeze %dma_start3A_73 : memref<1x128x128xf32, #tpu.memory_space<vmem>> -> memref<128x128xf32, #tpu.memory_space<vmem>>
      %dma_start3A_75 = arith.constant 0 : i32
      %dma_start3A_76 = tpu.memref_slice %arg4[%add3A_69, %dma_start3A_75] : memref<204800x128xf32, #tpu.memory_space<hbm>> -> memref<128x128xf32, #tpu.memory_space<hbm>>
      %dma_start3A_77 = arith.constant 0 : i32
      %dma_start3A_78 = tpu.memref_slice %arg4[%add3A_69, %dma_start3A_77] : memref<204800x128xf32, #tpu.memory_space<hbm>> -> memref<128x128xf32, #tpu.memory_space<hbm>>
      %dma_start3A_79 = arith.constant 0 : i32
      %dma_start3A_80 = arith.constant 0 : i32
      %dma_start3A_81 = tpu.memref_slice %arg6[%dma_start3A_70, %dma_start3A_79, %dma_start3A_80] : memref<5x128x128xf32, #tpu.memory_space<vmem>> -> memref<1x128x128xf32, #tpu.memory_space<vmem>>
      %dma_start3A_82 = tpu.memref_squeeze %dma_start3A_81 : memref<1x128x128xf32, #tpu.memory_space<vmem>> -> memref<128x128xf32, #tpu.memory_space<vmem>>
      tpu.enqueue_dma source(%dma_start3A_82 : memref<128x128xf32, #tpu.memory_space<vmem>>) target(%dma_start3A_78 : memref<128x128xf32, #tpu.memory_space<hbm>>) target_semaphore(%arg15 : memref<!tpu.dma_semaphore, #tpu.memory_space<semaphore_mem>>)
      %add3A_83 = arith.constant 4 : i32
      %add3A_84 = arith.addi %add3A_11, %add3A_83 : i32
      %mul3A_85 = arith.constant 128 : i32
      %mul3A_86 = arith.muli %add3A_84, %mul3A_85 : i32
      %add3A_87 = arith.addi %mul3A_2, %mul3A_86 : i32
      %dma_start3A_88 = arith.constant 4 : i32
      %dma_start3A_89 = arith.constant 0 : i32
      %dma_start3A_90 = arith.constant 0 : i32
      %dma_start3A_91 = tpu.memref_slice %arg6[%dma_start3A_88, %dma_start3A_89, %dma_start3A_90] : memref<5x128x128xf32, #tpu.memory_space<vmem>> -> memref<1x128x128xf32, #tpu.memory_space<vmem>>
      %dma_start3A_92 = tpu.memref_squeeze %dma_start3A_91 : memref<1x128x128xf32, #tpu.memory_space<vmem>> -> memref<128x128xf32, #tpu.memory_space<vmem>>
      %dma_start3A_93 = arith.constant 0 : i32
      %dma_start3A_94 = tpu.memref_slice %arg4[%add3A_87, %dma_start3A_93] : memref<204800x128xf32, #tpu.memory_space<hbm>> -> memref<128x128xf32, #tpu.memory_space<hbm>>
      %dma_start3A_95 = arith.constant 0 : i32
      %dma_start3A_96 = tpu.memref_slice %arg4[%add3A_87, %dma_start3A_95] : memref<204800x128xf32, #tpu.memory_space<hbm>> -> memref<128x128xf32, #tpu.memory_space<hbm>>
      %dma_start3A_97 = arith.constant 0 : i32
      %dma_start3A_98 = arith.constant 0 : i32
      %dma_start3A_99 = tpu.memref_slice %arg6[%dma_start3A_88, %dma_start3A_97, %dma_start3A_98] : memref<5x128x128xf32, #tpu.memory_space<vmem>> -> memref<1x128x128xf32, #tpu.memory_space<vmem>>
      %dma_start3A_100 = tpu.memref_squeeze %dma_start3A_99 : memref<1x128x128xf32, #tpu.memory_space<vmem>> -> memref<128x128xf32, #tpu.memory_space<vmem>>
      tpu.enqueue_dma source(%dma_start3A_100 : memref<128x128xf32, #tpu.memory_space<vmem>>) target(%dma_start3A_96 : memref<128x128xf32, #tpu.memory_space<hbm>>) target_semaphore(%arg16 : memref<!tpu.dma_semaphore, #tpu.memory_space<semaphore_mem>>)
      %add3A_101 = arith.constant 0 : i32
      %add3A_102 = arith.addi %add3A_11, %add3A_101 : i32
      %mul3A_103 = arith.constant 128 : i32
      %mul3A_104 = arith.muli %add3A_102, %mul3A_103 : i32
      %add3A_105 = arith.addi %mul3A_2, %mul3A_104 : i32
      %dma_wait3A = arith.constant 0 : i32
      %dma_wait3A_106 = arith.constant 0 : i32
      %dma_wait3A_107 = arith.constant 0 : i32
      %dma_wait3A_108 = tpu.memref_slice %arg6[%dma_wait3A, %dma_wait3A_106, %dma_wait3A_107] : memref<5x128x128xf32, #tpu.memory_space<vmem>> -> memref<1x128x128xf32, #tpu.memory_space<vmem>>
      %dma_wait3A_109 = tpu.memref_squeeze %dma_wait3A_108 : memref<1x128x128xf32, #tpu.memory_space<vmem>> -> memref<128x128xf32, #tpu.memory_space<vmem>>
      %dma_wait3A_110 = arith.constant 0 : i32
      %dma_wait3A_111 = tpu.memref_slice %arg4[%add3A_105, %dma_wait3A_110] : memref<204800x128xf32, #tpu.memory_space<hbm>> -> memref<128x128xf32, #tpu.memory_space<hbm>>
      %dma_wait3A_112 = arith.constant 0 : i32
      %dma_wait3A_113 = tpu.memref_slice %arg4[%add3A_105, %dma_wait3A_112] : memref<204800x128xf32, #tpu.memory_space<hbm>> -> memref<128x128xf32, #tpu.memory_space<hbm>>
      %dma_wait3A_114 = arith.constant 0 : i32
      %dma_wait3A_115 = arith.constant 0 : i32
      %dma_wait3A_116 = tpu.memref_slice %arg6[%dma_wait3A, %dma_wait3A_114, %dma_wait3A_115] : memref<5x128x128xf32, #tpu.memory_space<vmem>> -> memref<1x128x128xf32, #tpu.memory_space<vmem>>
      %dma_wait3A_117 = tpu.memref_squeeze %dma_wait3A_116 : memref<1x128x128xf32, #tpu.memory_space<vmem>> -> memref<128x128xf32, #tpu.memory_space<vmem>>
      tpu.wait_dma2 semaphore(%arg12 : memref<!tpu.dma_semaphore, #tpu.memory_space<semaphore_mem>>) src(%dma_wait3A_117 : memref<128x128xf32, #tpu.memory_space<vmem>>) dst(%dma_wait3A_113 : memref<128x128xf32, #tpu.memory_space<hbm>>)
      %add3A_118 = arith.constant 1 : i32
      %add3A_119 = arith.addi %add3A_11, %add3A_118 : i32
      %mul3A_120 = arith.constant 128 : i32
      %mul3A_121 = arith.muli %add3A_119, %mul3A_120 : i32
      %add3A_122 = arith.addi %mul3A_2, %mul3A_121 : i32
      %dma_wait3A_123 = arith.constant 1 : i32
      %dma_wait3A_124 = arith.constant 0 : i32
      %dma_wait3A_125 = arith.constant 0 : i32
      %dma_wait3A_126 = tpu.memref_slice %arg6[%dma_wait3A_123, %dma_wait3A_124, %dma_wait3A_125] : memref<5x128x128xf32, #tpu.memory_space<vmem>> -> memref<1x128x128xf32, #tpu.memory_space<vmem>>
      %dma_wait3A_127 = tpu.memref_squeeze %dma_wait3A_126 : memref<1x128x128xf32, #tpu.memory_space<vmem>> -> memref<128x128xf32, #tpu.memory_space<vmem>>
      %dma_wait3A_128 = arith.constant 0 : i32
      %dma_wait3A_129 = tpu.memref_slice %arg4[%add3A_122, %dma_wait3A_128] : memref<204800x128xf32, #tpu.memory_space<hbm>> -> memref<128x128xf32, #tpu.memory_space<hbm>>
      %dma_wait3A_130 = arith.constant 0 : i32
      %dma_wait3A_131 = tpu.memref_slice %arg4[%add3A_122, %dma_wait3A_130] : memref<204800x128xf32, #tpu.memory_space<hbm>> -> memref<128x128xf32, #tpu.memory_space<hbm>>
      %dma_wait3A_132 = arith.constant 0 : i32
      %dma_wait3A_133 = arith.constant 0 : i32
      %dma_wait3A_134 = tpu.memref_slice %arg6[%dma_wait3A_123, %dma_wait3A_132, %dma_wait3A_133] : memref<5x128x128xf32, #tpu.memory_space<vmem>> -> memref<1x128x128xf32, #tpu.memory_space<vmem>>
      %dma_wait3A_135 = tpu.memref_squeeze %dma_wait3A_134 : memref<1x128x128xf32, #tpu.memory_space<vmem>> -> memref<128x128xf32, #tpu.memory_space<vmem>>
      tpu.wait_dma2 semaphore(%arg13 : memref<!tpu.dma_semaphore, #tpu.memory_space<semaphore_mem>>) src(%dma_wait3A_135 : memref<128x128xf32, #tpu.memory_space<vmem>>) dst(%dma_wait3A_131 : memref<128x128xf32, #tpu.memory_space<hbm>>)
      %add3A_136 = arith.constant 2 : i32
      %add3A_137 = arith.addi %add3A_11, %add3A_136 : i32
      %mul3A_138 = arith.constant 128 : i32
      %mul3A_139 = arith.muli %add3A_137, %mul3A_138 : i32
      %add3A_140 = arith.addi %mul3A_2, %mul3A_139 : i32
      %dma_wait3A_141 = arith.constant 2 : i32
      %dma_wait3A_142 = arith.constant 0 : i32
      %dma_wait3A_143 = arith.constant 0 : i32
      %dma_wait3A_144 = tpu.memref_slice %arg6[%dma_wait3A_141, %dma_wait3A_142, %dma_wait3A_143] : memref<5x128x128xf32, #tpu.memory_space<vmem>> -> memref<1x128x128xf32, #tpu.memory_space<vmem>>
      %dma_wait3A_145 = tpu.memref_squeeze %dma_wait3A_144 : memref<1x128x128xf32, #tpu.memory_space<vmem>> -> memref<128x128xf32, #tpu.memory_space<vmem>>
      %dma_wait3A_146 = arith.constant 0 : i32
      %dma_wait3A_147 = tpu.memref_slice %arg4[%add3A_140, %dma_wait3A_146] : memref<204800x128xf32, #tpu.memory_space<hbm>> -> memref<128x128xf32, #tpu.memory_space<hbm>>
      %dma_wait3A_148 = arith.constant 0 : i32
      %dma_wait3A_149 = tpu.memref_slice %arg4[%add3A_140, %dma_wait3A_148] : memref<204800x128xf32, #tpu.memory_space<hbm>> -> memref<128x128xf32, #tpu.memory_space<hbm>>
      %dma_wait3A_150 = arith.constant 0 : i32
      %dma_wait3A_151 = arith.constant 0 : i32
      %dma_wait3A_152 = tpu.memref_slice %arg6[%dma_wait3A_141, %dma_wait3A_150, %dma_wait3A_151] : memref<5x128x128xf32, #tpu.memory_space<vmem>> -> memref<1x128x128xf32, #tpu.memory_space<vmem>>
      %dma_wait3A_153 = tpu.memref_squeeze %dma_wait3A_152 : memref<1x128x128xf32, #tpu.memory_space<vmem>> -> memref<128x128xf32, #tpu.memory_space<vmem>>
      tpu.wait_dma2 semaphore(%arg14 : memref<!tpu.dma_semaphore, #tpu.memory_space<semaphore_mem>>) src(%dma_wait3A_153 : memref<128x128xf32, #tpu.memory_space<vmem>>) dst(%dma_wait3A_149 : memref<128x128xf32, #tpu.memory_space<hbm>>)
      %add3A_154 = arith.constant 3 : i32
      %add3A_155 = arith.addi %add3A_11, %add3A_154 : i32
      %mul3A_156 = arith.constant 128 : i32
      %mul3A_157 = arith.muli %add3A_155, %mul3A_156 : i32
      %add3A_158 = arith.addi %mul3A_2, %mul3A_157 : i32
      %dma_wait3A_159 = arith.constant 3 : i32
      %dma_wait3A_160 = arith.constant 0 : i32
      %dma_wait3A_161 = arith.constant 0 : i32
      %dma_wait3A_162 = tpu.memref_slice %arg6[%dma_wait3A_159, %dma_wait3A_160, %dma_wait3A_161] : memref<5x128x128xf32, #tpu.memory_space<vmem>> -> memref<1x128x128xf32, #tpu.memory_space<vmem>>
      %dma_wait3A_163 = tpu.memref_squeeze %dma_wait3A_162 : memref<1x128x128xf32, #tpu.memory_space<vmem>> -> memref<128x128xf32, #tpu.memory_space<vmem>>
      %dma_wait3A_164 = arith.constant 0 : i32
      %dma_wait3A_165 = tpu.memref_slice %arg4[%add3A_158, %dma_wait3A_164] : memref<204800x128xf32, #tpu.memory_space<hbm>> -> memref<128x128xf32, #tpu.memory_space<hbm>>
      %dma_wait3A_166 = arith.constant 0 : i32
      %dma_wait3A_167 = tpu.memref_slice %arg4[%add3A_158, %dma_wait3A_166] : memref<204800x128xf32, #tpu.memory_space<hbm>> -> memref<128x128xf32, #tpu.memory_space<hbm>>
      %dma_wait3A_168 = arith.constant 0 : i32
      %dma_wait3A_169 = arith.constant 0 : i32
      %dma_wait3A_170 = tpu.memref_slice %arg6[%dma_wait3A_159, %dma_wait3A_168, %dma_wait3A_169] : memref<5x128x128xf32, #tpu.memory_space<vmem>> -> memref<1x128x128xf32, #tpu.memory_space<vmem>>
      %dma_wait3A_171 = tpu.memref_squeeze %dma_wait3A_170 : memref<1x128x128xf32, #tpu.memory_space<vmem>> -> memref<128x128xf32, #tpu.memory_space<vmem>>
      tpu.wait_dma2 semaphore(%arg15 : memref<!tpu.dma_semaphore, #tpu.memory_space<semaphore_mem>>) src(%dma_wait3A_171 : memref<128x128xf32, #tpu.memory_space<vmem>>) dst(%dma_wait3A_167 : memref<128x128xf32, #tpu.memory_space<hbm>>)
      %add3A_172 = arith.constant 4 : i32
      %add3A_173 = arith.addi %add3A_11, %add3A_172 : i32
      %mul3A_174 = arith.constant 128 : i32
      %mul3A_175 = arith.muli %add3A_173, %mul3A_174 : i32
      %add3A_176 = arith.addi %mul3A_2, %mul3A_175 : i32
      %dma_wait3A_177 = arith.constant 4 : i32
      %dma_wait3A_178 = arith.constant 0 : i32
      %dma_wait3A_179 = arith.constant 0 : i32
      %dma_wait3A_180 = tpu.memref_slice %arg6[%dma_wait3A_177, %dma_wait3A_178, %dma_wait3A_179] : memref<5x128x128xf32, #tpu.memory_space<vmem>> -> memref<1x128x128xf32, #tpu.memory_space<vmem>>
      %dma_wait3A_181 = tpu.memref_squeeze %dma_wait3A_180 : memref<1x128x128xf32, #tpu.memory_space<vmem>> -> memref<128x128xf32, #tpu.memory_space<vmem>>
      %dma_wait3A_182 = arith.constant 0 : i32
      %dma_wait3A_183 = tpu.memref_slice %arg4[%add3A_176, %dma_wait3A_182] : memref<204800x128xf32, #tpu.memory_space<hbm>> -> memref<128x128xf32, #tpu.memory_space<hbm>>
      %dma_wait3A_184 = arith.constant 0 : i32
      %dma_wait3A_185 = tpu.memref_slice %arg4[%add3A_176, %dma_wait3A_184] : memref<204800x128xf32, #tpu.memory_space<hbm>> -> memref<128x128xf32, #tpu.memory_space<hbm>>
      %dma_wait3A_186 = arith.constant 0 : i32
      %dma_wait3A_187 = arith.constant 0 : i32
      %dma_wait3A_188 = tpu.memref_slice %arg6[%dma_wait3A_177, %dma_wait3A_186, %dma_wait3A_187] : memref<5x128x128xf32, #tpu.memory_space<vmem>> -> memref<1x128x128xf32, #tpu.memory_space<vmem>>
      %dma_wait3A_189 = tpu.memref_squeeze %dma_wait3A_188 : memref<1x128x128xf32, #tpu.memory_space<vmem>> -> memref<128x128xf32, #tpu.memory_space<vmem>>
      tpu.wait_dma2 semaphore(%arg16 : memref<!tpu.dma_semaphore, #tpu.memory_space<semaphore_mem>>) src(%dma_wait3A_189 : memref<128x128xf32, #tpu.memory_space<vmem>>) dst(%dma_wait3A_185 : memref<128x128xf32, #tpu.memory_space<hbm>>)
    }
    %scan3A_6 = arith.constant 10 : i32
    return
  }
}

</mosaic_0001>

<sc_bundles>
// kernel: kernel.3.cloned.1.call-start
scs
__scs_entry_jumppad:
0x0: {  	(pc) =	sbr.rel $0x88, $3  }
0x1: {  	(tag) =	ssettag $0x0;
	lr =	simm.s32 $0x1  }
0x2: {  	[smem:$0x3F9F] =	sst lr;
	_ =	strace $0xD0000000  }
0x3: {  	_ = 	snop  }
0x4: {  	_ = 	snop  }
0x5: {  	_ = 	snop  }
0x6: {  	_ = 	snop  }
0x7: {  	_ = 	snop  }
__scs_overlays_trampoline_lowered:
0x8: {  	[smem:$0x3FAE] =	sst s0  }
0x9: {  	[smem:$0x3FAF] =	sst s1  }
0xa: {  	[smem:$0x3FB0] =	sst s2  }
0xb: {  	[smem:$0x3FB1] =	sst s3  }
0xc: {  	[smem:$0x3FB2] =	sst s4  }
0xd: {  	[smem:$0x3FB3] =	sst s5  }
0xe: {  	[smem:$0x3FB4] =	sst s6  }
0xf: {  	[smem:$0x3FB5] =	sst s7  }
0x10: {  	[smem:$0x3FB6] =	sst s8  }
0x11: {  	[smem:$0x3FB7] =	sst s9;
	s0 =	simm.s32 @!p0 $0x0  }
0x12: {  	s1 =	sld [smem:$0x3F9D];
	s0 =	simm.s32 @p0 $0x1  }
0x13: {  	[smem:$0x3FB8] =	sst s0;
	s0 =	simm.s32 @!p1 $0x0  }
0x14: {  	s2 =	sld [smem:$0x3F9C];
	s0 =	simm.s32 @p1 $0x1  }
0x15: {  	[smem:$0x3FB9] =	sst s0;
	s0 =	simm.s32 @!p2 $0x0  }
0x16: {  	s3 =	sld [smem:$0x3FDB];
	s0 =	simm.s32 @p2 $0x1  }
0x17: {  	s4 =	simm.s32 $0x1BF5;
	[smem:$0x3FBB] =	sst s0  }
0x18: {  	s0 =	sld [smem:$0x3F9E];
	_ =	swait.ge [sflag:s4], $0x0  }
0x19: {  	s7 =	sld [smem:$0x3F9F]  }
0x1a: {  	s8 =	sadd.s32 $0xFFFFE003, lr  }
0x1b: {  	s9 =	sadd.s32 $0xFFFFFEF7, lr;
	s5 =	simm.s32 $0xFFFFFFFF;
	p2 =	slt.u32 s8, $0xFFFFF086  }
0x1c: {  	p1 =	slt.u32 s9, $0xF7A;
	s5 =	simm.s32 @!p2 $0x0  }
0x1d: {  	s5 =	simm.s32 @p1 $0x1;
	p0 =	seq.s32 s7, s2  }
0x1e: {  	s7 =	smul.u32 @!p0 $0xF7A, s2;
	p2 =	seq.s32 @!p0 s5, $0x0  }
0x1f: {  	s9 =	smul.u32 $0xF7A, s1;
	s8 =	simm.s32 @!p0 $0x1BF5;
	p2 =	por !p2, p0  }
0x20: {  	[sflag:s8] =	ssyncset.s32 @!p0 $0xFFFFF086;
	s6 =	sadd.s32 @!p0 s3, s7;
	s7 =	simm.s32 @!p0 $0x108  }
0x21: {  	s3 =	sadd.s32 s3, s9;
	s6 =	sadd.s32 @!p0 $0x88, s6;
	s7 =	simm.s32 @p2 $0x1082  }
0x22: {  	[simem:s7], [sflag:s8] =	dma.local @!p0 [hbm:s6], $0xF7A  }
0x23: {  	s9 =	sor.u32 $0xD0000000, s2;
	s6 =	simm.s32 $0x108;
	_ =	swait.ge @!p0 [sflag:s8], $0x0  }
0x24: {  	s3 =	sadd.s32 $0x88, s3;
	s6 =	simm.s32 @!p1 $0x1082;
	[sflag:s4] =	ssyncset.s32 $0xFFFFF086  }
0x25: {  	[simem:s6], [sflag:s4] =	dma.local [hbm:s3], $0xF7A  }
0x26: {  	[smem:$0x3F9F] =	sst s1;
	(tag) =	ssettag s2;
	_ =	strace s9  }
0x27: {  	s1 =	sld [smem:$0x3FAF]  }
0x28: {  	s2 =	sld [smem:$0x3FB0]  }
0x29: {  	s4 =	sld [smem:$0x3FB2]  }
0x2a: {  	p0 =	seq.s32 s5, $0x0;
	s5 =	sld [smem:$0x3FB3]  }
0x2b: {  	s6 =	sld [smem:$0x3FB4]  }
0x2c: {  	s7 =	sld [smem:$0x3FB5]  }
0x2d: {  	s3 =	simm.s32 $0x108;
	s8 =	sld [smem:$0x3FB6]  }
0x2e: {  	s3 =	simm.s32 @!p0 $0x1082;
	s9 =	sld [smem:$0x3FB7]  }
0x2f: {  	lr =	sadd.s32 s0, s3;
	s0 =	sld [smem:$0x3FAE]  }
0x30: {  	s3 =	sld [smem:$0x3FB1]  }
0x31: {  	[smem:$0x3FBA] =	sst s10  }
0x32: {  	s10 =	sld [smem:$0x3FB8];
	_ =	sdelay $0x3  }
0x33: {  	p0 =	seq.s32 s10, $0x1;
	s10 =	sld [smem:$0x3FBA];
	_ =	sdelay $0x3  }
0x34: {  	[smem:$0x3FBA] =	sst s10  }
0x35: {  	s10 =	sld [smem:$0x3FB9];
	_ =	sdelay $0x3  }
0x36: {  	p1 =	seq.s32 s10, $0x1;
	s10 =	sld [smem:$0x3FBA];
	_ =	sdelay $0x3  }
0x37: {  	[smem:$0x3FBA] =	sst s10  }
0x38: {  	s10 =	sld [smem:$0x3FBB]  }
0x39: {  	_ = 	snop;
	(pc) =	sbr.ind lr, $3  }
0x3a: {  	_ = 	snop  }
0x3b: {  	_ = 	snop  }
0x3c: {  	p2 =	seq.s32 s10, $0x1;
	s10 =	sld [smem:$0x3FBA]  }
0x3d: {  	_ =	shalt  }
0x3e: {  	_ =	shalt  }
0x3f: {  	_ =	shalt  }
0x40: {  	_ =	shalt  }
0x41: {  	_ =	shalt  }
0x42: {  	_ =	shalt  }
0x43: {  	_ =	shalt  }
0x44: {  	_ =	shalt  }
0x45: {  	_ =	shalt  }
0x46: {  	_ =	shalt  }
0x47: {  	_ =	shalt  }
0x48: {  	_ =	shalt  }
0x49: {  	_ =	shalt  }
0x4a: {  	_ =	shalt  }
0x4b: {  	_ =	shalt  }
0x4c: {  	_ =	shalt  }
0x4d: {  	_ =	shalt  }
0x4e: {  	_ =	shalt  }
0x4f: {  	_ =	shalt  }
0x50: {  	_ =	shalt  }
0x51: {  	_ =	shalt  }
0x52: {  	_ =	shalt  }
0x53: {  	_ =	shalt  }
0x54: {  	_ =	shalt  }
0x55: {  	_ =	shalt  }
0x56: {  	_ =	shalt  }
0x57: {  	_ =	shalt  }
0x58: {  	_ =	shalt  }
0x59: {  	_ =	shalt  }
0x5a: {  	_ =	shalt  }
0x5b: {  	_ =	shalt  }
0x5c: {  	_ =	shalt  }
0x5d: {  	_ =	shalt  }
0x5e: {  	_ =	shalt  }
0x5f: {  	_ =	shalt  }
0x60: {  	_ =	shalt  }
0x61: {  	_ =	shalt  }
0x62: {  	_ =	shalt  }
0x63: {  	_ =	shalt  }
0x64: {  	_ =	shalt  }
0x65: {  	_ =	shalt  }
0x66: {  	_ =	shalt  }
0x67: {  	_ =	shalt  }
0x68: {  	_ =	shalt  }
0x69: {  	_ =	shalt  }
0x6a: {  	_ =	shalt  }
0x6b: {  	_ =	shalt  }
0x6c: {  	_ =	shalt  }
0x6d: {  	_ =	shalt  }
0x6e: {  	_ =	shalt  }
0x6f: {  	_ =	shalt  }
0x70: {  	_ =	shalt  }
0x71: {  	_ =	shalt  }
0x72: {  	_ =	shalt  }
0x73: {  	_ =	shalt  }
0x74: {  	_ =	shalt  }
0x75: {  	_ =	shalt  }
0x76: {  	_ =	shalt  }
0x77: {  	_ =	shalt  }
0x78: {  	_ =	shalt  }
0x79: {  	_ =	shalt  }
0x7a: {  	_ =	shalt  }
0x7b: {  	_ =	shalt  }
0x7c: {  	_ =	shalt  }
0x7d: {  	_ =	shalt  }
0x7e: {  	_ =	shalt  }
0x7f: {  	_ =	shalt  }
0x80: {  	_ =	shalt  }
0x81: {  	_ =	shalt  }
0x82: {  	_ =	shalt  }
0x83: {  	_ =	shalt  }
0x84: {  	_ =	shalt  }
0x85: {  	_ =	shalt  }
0x86: {  	_ =	shalt  }
0x87: {  	_ =	shalt  }
.Lfunc_end0:
.L_simem_size_0:
called_computation_lowered:
.L_overlay_start_0:
0x88: {  	s2 =	sld [smem:$0x3FD9]  }
0x89: {  	s3 =	sld [smem:$0x3FFE];
	_ =	sdelay $0x1  }
0x8a: {  	s1 =	srdreg.scid  }
0x8b: {  	s0 =	sand.u32 $0x1, s1  }
0x8c: {  	s17 =	sshll.u32 s0, $0xA;
	s2 =	sadd.s32 s3, s2  }
0x8d: {  	s2 =	sadd.s32 s2, s17  }
0x8e: {  	[smem:$0x3FC6] =	sst s2  }
0x8f: {  	_ = 	snop  }
0x90: {  	s2 =	sld [smem:$0x3FD0];
	(tm) =	ssettm $0x1  }
0x91: {  	s18 =	sld [smem:$0x3FFB];
	_ =	sdelay $0x3  }
0x92: {  	_ =	strace s18  }
0x93: {  	s3 =	sld [smem:$0x3FFC];
	_ =	sdelay $0x3  }
0x94: {  	_ =	strace s3  }
0x95: {  	s3 =	sld [smem:$0x3FFD];
	_ =	sdelay $0x3  }
0x96: {  	_ =	strace s3  }
0x97: {  	_ =	strace $0x8FFFFFFF  }
0x98: {  	s19 =	sld [smem:$0x3FDB];
	_ =	sdelay $0x1  }
0x99: {  	s4 =	simm.s32 $_scs_section_size  }
0x9a: {  	s5 =	simm.s32 $_size__tile_overlayer_lowered;
	s6 =	simm.s32 $_tile_overlayer_lowered  }
0x9b: {  	s22 =	simm.s32 $0x1BFF;
	s21 =	sshll.u32 s6, $0x1;
	s3 =	sadd.s32 s4, s19  }
0x9c: {  	s7 =	simm.s32 $0x0;
	s20 =	sshll.u32 s5, $0x1;
	s5 =	sadd.s32 s21, s3  }
0x9d: {  	[timem:s7], [sflag:s22] =	dma.local [hbm:s5], s20  }
0x9e: {  	_ =	swait.ge [sflag:s22], s20  }
0x9f: {  	s4 =	ssub.s32 $0x0, s20;
	[sflag:s22] =	ssyncset.done $0x0  }
0xa0: {  	[sflag:s22] =	ssyncadd.s32 s4;
	_ =	sdelay $0x1  }
0xa1: {  	s23 =	simm.s32 $0x1B8B  }
0xa2: {  	_ =	swait.ge [sflag:s23], $0x1  }
0xa3: {  	[sflag:s23] =	ssyncset.done $0x0  }
0xa4: {  	s25 =	simm.s32 $0x1B8E;
	s24 =	sld [smem:$0x3FFE];
	[sflag:s23] =	ssyncadd.s32 $0xFFFFFFFF  }
0xa5: {  	s26 =	simm.s32 $execute0_lowered;
	[smem:$0x3FD2] =	sst s25  }
0xa6: {  	s5 =	sshll.u32 s26, $0x1;
	_ =	strace $0x80000046;
	[dreg:$0x1] =	wrdreg $0xFFFFFFFF  }
0xa7: {  	s28 =	simm.s32 $_size_execute0_lowered;
	s3 =	sadd.s32 s3, s5;
	[dreg:$0x0] =	wrdreg $0x0  }
0xa8: {  	s5 =	sshll.u32 s28, $0x1;
	[dreg:$0x2] =	wrdreg s3  }
0xa9: {  	[dreg:$0x3] =	wrdreg s5  }
0xaa: {  	[dreg:$0x4] =	wrdreg $0xC0  }
0xab: {  	_ =	task [dreg:s7], $0x5FFFF  }
0xac: {  	[dreg:$0x1] =	wrdreg $0xFFFFFFFF  }
0xad: {  	[dreg:$0x0] =	wrdreg $0x60  }
0xae: {  	[dreg:$0x2] =	wrdreg s24  }
0xaf: {  	[dreg:$0x3] =	wrdreg s2  }
0xb0: {  	[dreg:$0x4] =	wrdreg $0x9  }
0xb1: {  	_ =	task.clear_ibuf [dreg:s7], $0x5FFFF;
	_ =	strace $0x90000046  }
0xb2: {  	s29 =	simm.s32 $0x9;
	_ =	strace $0x80000048  }
0xb3: {  	_ =	swait.ge [sflag:s29], $0x1  }
0xb4: {  	[sflag:s29] =	ssyncadd.s32 $0xFFFFFFFF  }
0xb5: {  	_ =	strace $0x90000048  }
0xb6: {  	_ =	sfence  }
0xb7: {  	s30 =	sld [smem:$0x0];
	_ =	sdelay $0x2  }
0xb8: {  	s31 =	sshll.u32 s1, $0xD;
	s1 =	sshrl.u32 s1, $0x2  }
0xb9: {  	s3 =	sand.u32 $0x4000, s31;
	s1 =	sadd.s32 s1, s30  }
0xba: {  	s0 =	sor.u32 s3, s0;
	s1 =	sshll.u32 s1, $0x11  }
0xbb: {  	s0 =	sor.u32 s1, s0  }
0xbc: {  	s0 =	sadd.s32 $0x8F2B, s0  }
0xbd: {  	[sflag:s0] =	ssyncadd.remote.s32 $0x1  }
0xbe: {  	_ =	sfence.sel $0xFFFF  }
0xbf: {  	[dreg:$0x0] =	wrdreg $0xFFFFFFFF;
	(pc) =	sbr.abs _section_cstart, $3  }
0xc0: {  	[dreg:$0x1] =	wrdreg $0xFFFFFFFF  }
0xc1: {  	_ =	task.clear_ibuf [dreg:s7], $0x2FFFF;
	_ =	strace $0x9FFFFFFF  }
0xc2: {  	(tm) =	ssettm $0x7FFFFFFF  }
0xc3: {  	_ =	shalt  }
tec
execute0_lowered:
.L_overlay_start_1:
0x0: {  	(tag) =	ssettag $0x1  }
0x1: {  	s1 =	srdreg.scid;
	s3 =	rddreg [dreg:$0x0]  }
0x2: {  	s0 =	stileid.u32;
	s5 =	rddreg [dreg:$0x1]  }
0x3: {  	s2 =	simm.s32 $0x0;
	s11 =	simm.s32 $0x11C00;
	s12 =	simm.s32 $0x1  }
0x4: {  	s13 =	simm.s32 $0x2;
	s14 =	simm.s32 $0x3;
	s15 =	simm.s32 $0x4  }
0x5: {  	s16 =	simm.s32 $0x5;
	s17 =	simm.s32 $0x0;
	s4 =	sand.u32 $0x1, s1  }
0x6: {  	s30 =	sshll.u32 s0, $0x1;
	s1 =	rddreg [dreg:$0x2];
	s8 =	smul.u32 $0x32000, s0  }
0x7: {  	[smem:$0x7FF] =	sst s2;
	s6 =	sor.u32 s4, s30;
	s10 =	smul.u32 $0x19000, s4  }
0x8: {  	s7 =	ssub.s32 $0x2, s4;
	_ =	strace $0x80000047;
	s6 =	smul.u32 $0x380, s6  }
0x9: {  	s9 =	sshrl.u32 s7, $0x1;
	s5 =	sadd.s32 s8, s5;
	s8 =	simm.s32 $0x5C00  }
0xa: {  	s31 =	ssub.s32 s7, s9;
	s5 =	sadd.s32 s10, s5;
	s7 =	simm.s32 $0x1C00  }
0xb: {  	s9 =	simm.s32 $0x9C00;
	s10 =	simm.s32 $0xDC00;
	s3 =	sadd.s32 s6, s3  }
0xc: {  	s4 =	smax.u32 s31, $0x1;
	s6 =	simm.s32 $0x6;
	s3 =	sadd.s32 $0x400, s3  }
.LBB2_1:
0xd: {  	[tilespmem:s2], [sflag:$0x6] =	stream.linear.gather [hbm4b:s3+s2], $0x1900, $0x38;
	[tilespmem:$0x15C00] =	vst v63  }
0xe: {  	_ =	swait.ge [sflag:s6], $0x1900  }
0xf: {  	[sflag:s6] =	ssyncset.done $0x0  }
0x10: {  	s18 =	sadd.s32 $0x0, s5;
	[sflag:s6] =	ssyncadd.s32 $0xFFFFE700  }
0x11: {  	[hbm4b:s18+s2] =	stream.linear.scatter [tilespmem:s7], [sflag:$0x1], $0x4000, $0x38;
	[tilespmem:$0x15C00] =	vst v63  }
0x12: {  	s19 =	sadd.s32 $0x800, s18  }
0x13: {  	[hbm4b:s19+s2] =	stream.linear.scatter [tilespmem:s8], [sflag:$0x2], $0x4000, $0x38;
	[tilespmem:$0x15C00] =	vst v63  }
0x14: {  	s30 =	sadd.s32 $0x1000, s18  }
0x15: {  	[hbm4b:s30+s2] =	stream.linear.scatter [tilespmem:s9], [sflag:$0x3], $0x4000, $0x38;
	[tilespmem:$0x15C00] =	vst v63  }
0x16: {  	s31 =	sadd.s32 $0x1800, s18  }
0x17: {  	[hbm4b:s31+s2] =	stream.linear.scatter [tilespmem:s10], [sflag:$0x4], $0x4000, $0x38;
	[tilespmem:$0x15C00] =	vst v63  }
0x18: {  	s18 =	sadd.s32 $0x2000, s18  }
0x19: {  	[hbm4b:s18+s2] =	stream.linear.scatter [tilespmem:s11], [sflag:$0x5], $0x4000, $0x38;
	[tilespmem:$0x15C00] =	vst v63  }
0x1a: {  	_ =	swait.ge [sflag:s12], $0x4000  }
0x1b: {  	[sflag:s12] =	ssyncset.done $0x0  }
0x1c: {  	[sflag:s12] =	ssyncadd.s32 $0xFFFFC000  }
0x1d: {  	_ =	swait.ge [sflag:s13], $0x4000  }
0x1e: {  	[sflag:s13] =	ssyncset.done $0x0  }
0x1f: {  	[sflag:s13] =	ssyncadd.s32 $0xFFFFC000  }
0x20: {  	_ =	swait.ge [sflag:s14], $0x4000  }
0x21: {  	[sflag:s14] =	ssyncset.done $0x0  }
0x22: {  	[sflag:s14] =	ssyncadd.s32 $0xFFFFC000  }
0x23: {  	_ =	swait.ge [sflag:s15], $0x4000  }
0x24: {  	[sflag:s15] =	ssyncset.done $0x0  }
0x25: {  	[sflag:s15] =	ssyncadd.s32 $0xFFFFC000  }
0x26: {  	_ =	swait.ge [sflag:s16], $0x4000  }
0x27: {  	s19 =	simm.s32 $0x5000;
	s18 =	simm.s32 $0x2800;
	[sflag:s16] =	ssyncset.done $0x0  }
.LBB2_2:
0x28: {  	s20 =	sadd.s32 s18, s5  }
0x29: {  	[sflag:s16] =	ssyncadd.s32 $0xFFFFC000;
	s18 =	smov.u32 s19;
	s21 =	sadd.s32 $0x2800, s19  }
0x2a: {  	[hbm4b:s20+s2] =	stream.linear.scatter [tilespmem:s7], [sflag:$0x1], $0x4000, $0x38;
	[tilespmem:$0x15C00] =	vst v63  }
0x2b: {  	p0 =	sne.s32 s19, $0x16800;
	s19 =	sadd.s32 $0x800, s20  }
0x2c: {  	[hbm4b:s19+s2] =	stream.linear.scatter [tilespmem:s8], [sflag:$0x2], $0x4000, $0x38;
	[tilespmem:$0x15C00] =	vst v63  }
0x2d: {  	s19 =	sadd.s32 $0x1000, s20  }
0x2e: {  	[hbm4b:s19+s2] =	stream.linear.scatter [tilespmem:s9], [sflag:$0x3], $0x4000, $0x38;
	[tilespmem:$0x15C00] =	vst v63  }
0x2f: {  	s19 =	sadd.s32 $0x1800, s20  }
0x30: {  	[hbm4b:s19+s2] =	stream.linear.scatter [tilespmem:s10], [sflag:$0x4], $0x4000, $0x38;
	[tilespmem:$0x15C00] =	vst v63  }
0x31: {  	s19 =	sadd.s32 $0x2000, s20  }
0x32: {  	[hbm4b:s19+s2] =	stream.linear.scatter [tilespmem:s11], [sflag:$0x5], $0x4000, $0x38;
	[tilespmem:$0x15C00] =	vst v63  }
0x33: {  	_ =	swait.ge [sflag:s12], $0x4000  }
0x34: {  	[sflag:s12] =	ssyncset.done $0x0  }
0x35: {  	[sflag:s12] =	ssyncadd.s32 $0xFFFFC000  }
0x36: {  	_ =	swait.ge [sflag:s13], $0x4000  }
0x37: {  	[sflag:s13] =	ssyncset.done $0x0  }
0x38: {  	[sflag:s13] =	ssyncadd.s32 $0xFFFFC000  }
0x39: {  	_ =	swait.ge [sflag:s14], $0x4000  }
0x3a: {  	[sflag:s14] =	ssyncset.done $0x0  }
0x3b: {  	[sflag:s14] =	ssyncadd.s32 $0xFFFFC000  }
.Ltmp0:
0x3c: {  	_ =	swait.ge [sflag:s15], $0x4000;
	(pc) =	sbr.rel @p0 .LBB2_2-.Ltmp0, $4  }
0x3d: {  	[sflag:s15] =	ssyncset.done $0x0  }
0x3e: {  	[sflag:s15] =	ssyncadd.s32 $0xFFFFC000  }
0x3f: {  	_ =	swait.ge [sflag:s16], $0x4000  }
0x40: {  	s19 =	smov.u32 s21;
	[sflag:s16] =	ssyncset.done $0x0  }
0x41: {  	s18 =	sadd.s32 s18, s5;
	[sflag:s16] =	ssyncadd.s32 $0xFFFFC000  }
0x42: {  	[hbm4b:s18+s2] =	stream.linear.scatter [tilespmem:s7], [sflag:$0x1], $0x4000, $0x38;
	[tilespmem:$0x15C00] =	vst v63  }
0x43: {  	s19 =	sadd.s32 $0x800, s18  }
0x44: {  	[hbm4b:s19+s2] =	stream.linear.scatter [tilespmem:s8], [sflag:$0x2], $0x4000, $0x38;
	[tilespmem:$0x15C00] =	vst v63  }
0x45: {  	s30 =	sadd.s32 $0x1000, s18  }
0x46: {  	[hbm4b:s30+s2] =	stream.linear.scatter [tilespmem:s9], [sflag:$0x3], $0x4000, $0x38;
	[tilespmem:$0x15C00] =	vst v63  }
0x47: {  	s31 =	sadd.s32 $0x1800, s18  }
0x48: {  	[hbm4b:s31+s2] =	stream.linear.scatter [tilespmem:s10], [sflag:$0x4], $0x4000, $0x38;
	[tilespmem:$0x15C00] =	vst v63  }
0x49: {  	s18 =	sadd.s32 $0x2000, s18  }
0x4a: {  	[hbm4b:s18+s2] =	stream.linear.scatter [tilespmem:s11], [sflag:$0x5], $0x4000, $0x38;
	[tilespmem:$0x15C00] =	vst v63  }
0x4b: {  	_ =	swait.ge [sflag:s12], $0x4000  }
0x4c: {  	[sflag:s12] =	ssyncset.done $0x0  }
0x4d: {  	[sflag:s12] =	ssyncadd.s32 $0xFFFFC000  }
0x4e: {  	_ =	swait.ge [sflag:s13], $0x4000  }
0x4f: {  	[sflag:s13] =	ssyncset.done $0x0  }
0x50: {  	[sflag:s13] =	ssyncadd.s32 $0xFFFFC000  }
0x51: {  	_ =	swait.ge [sflag:s14], $0x4000  }
0x52: {  	[sflag:s14] =	ssyncset.done $0x0  }
0x53: {  	s17 =	sadd.s32 $0x1, s17;
	[sflag:s14] =	ssyncadd.s32 $0xFFFFC000  }
0x54: {  	p0 =	sne.s32 s17, s4;
	_ =	swait.ge [sflag:s15], $0x4000  }
.Ltmp1:
0x55: {  	[sflag:s15] =	ssyncset.done $0x0;
	(pc) =	sbr.rel @p0 .LBB2_1-.Ltmp1, $4  }
0x56: {  	[sflag:s15] =	ssyncadd.s32 $0xFFFFC000  }
0x57: {  	_ =	swait.ge [sflag:s16], $0x4000  }
0x58: {  	[sflag:s16] =	ssyncset.done $0x0  }
0x59: {  	[sflag:s16] =	ssyncadd.s32 $0xFFFFC000  }
0x5a: {  	_ =	sfence.sel $0x180000  }
0x5b: {  	[bflag:$0x0] =	sbarrier.arrive $0xFFFF  }
0x5c: {  	p0 =	sne.s32 s0, $0x0;
	_ =	strace $0x90000047  }
0x5d: {  	s0 =	sadd.s32 @!p0 $0x100000, s1;
	[bflag:$0x2] =	sbarrier.arrive $0xFFFF  }
0x5e: {  	[sflag:s0] =	ssyncadd.tile.s32 @!p0 $0x1;
	_ =	shalt  }
.Lfunc_end2:
_tile_overlayer_lowered:
.L_overlay_start_2:
0x5f: {  	(tag) =	ssettag $0x2  }
0x60: {  	s0 =	rddreg [dreg:$0x0];
	s2 =	stileid.u32  }
0x61: {  	s1 =	rddreg [dreg:$0x1];
	p0 =	sne.s32 s2, $0x0  }
0x62: {  	s3 =	rddreg [dreg:$0x2];
	[bflag:$0x3] =	sbarrier.arrive $0xFFFF;
	s2 =	simm.s32 @!p0 $0x1C06  }
0x63: {  	[timem:s3], [sflag:s2] =	dma.local @!p0 [hbm:s0], s1  }
0x64: {  	s0 =	simm.s32 @!p0 $0x6  }
0x65: {  	_ =	swait.ge @!p0 [sflag:s0], s1  }
0x66: {  	s1 =	ssub.s32 @!p0 $0x0, s1;
	[sflag:s0] =	ssyncset.done @!p0 $0x0  }
0x67: {  	[sflag:s0] =	ssyncadd.s32 @!p0 s1  }
0x68: {  	[bflag:$0x3] =	sbarrier.arrive $0xFFFF  }
0x69: {  	_ =	shalt  }

</sc_bundles>
